<compile_context>
chip_gen: v7x
topology: tpu7x:2x2x1
jax: 0.10.2.dev20260603
libtpu: 0.0.44.dev20260713+nightly
codegen_flags: <defaults>
</compile_context>

<pallas_src>
import functools

import jax
import jax.numpy as jnp
from jax import lax
from jax.experimental import pallas as pl
from jax.experimental.pallas import tpu as pltpu
from jax.experimental.pallas import tpu_sc as plsc

_AFF_DIM = 64
_OUT_DIM = 128
_N_AFF = 16
_N_MAT = 16


def _lut_body(aff_ref, mat_ref, w_ref, b_ref, ai_ref, mi_ref,
              lut_ref, cidx_ref):
    w = w_ref[...]
    aff_proj = lax.dot_general(
        aff_ref[...], w[:, :_AFF_DIM], (((1,), (1,)), ((), ())),
        preferred_element_type=jnp.float32)
    mat_proj = lax.dot_general(
        mat_ref[...], w[:, _AFF_DIM:], (((1,), (1,)), ((), ())),
        preferred_element_type=jnp.float32)
    s = aff_proj[:, None, :] + mat_proj[None, :, :] + b_ref[...][None, :, :]
    lut_ref[...] = jnp.maximum(s, 0.0)
    cidx_ref[...] = ai_ref[...] * _N_MAT + mi_ref[...]


_lut_call = pl.pallas_call(
    _lut_body,
    out_shape=(
        jax.ShapeDtypeStruct((_N_AFF, _N_MAT, _OUT_DIM), jnp.float32),
        jax.ShapeDtypeStruct((128, 128), jnp.int32),
    ),
)

_NC = 2
_NS = 16
_NW = _NC * _NS
_B = 16384
_BPW = _B // _NW
_CH = 128
_NCH = _BPW // _CH

_LANES = 16
_LUT_ROWS = _N_AFF * _N_MAT


def _vbroadcast(vec, lane):
    idx = jnp.full((_LANES, 1), lane, jnp.int32)
    dnums = lax.GatherDimensionNumbers(
        offset_dims=(), collapsed_slice_dims=(0,), start_index_map=(0,))
    return lax.gather(vec, idx, dnums, (1,),
                      mode=lax.GatherScatterMode.PROMISE_IN_BOUNDS)


@functools.lru_cache(maxsize=1)
def _make_gather_kernel():
    mesh = plsc.VectorSubcoreMesh(core_axis_name="c", subcore_axis_name="s",
                                  num_cores=_NC, num_subcores=_NS)

    @functools.partial(
        pl.kernel,
        mesh=mesh,
        out_type=jax.ShapeDtypeStruct((_B, _OUT_DIM), jnp.float32),
        scratch_types=[
            pltpu.VMEM((_NCH, _CH), jnp.int32),
            pltpu.VMEM((_BPW, _OUT_DIM), jnp.float32),
            pltpu.VMEM_SHARED((_LUT_ROWS, _OUT_DIM), jnp.float32),
            pltpu.SemaphoreType.DMA,
            pltpu.SemaphoreType.DMA,
        ],
    )
    def gather_kernel(cidx_hbm, lut_hbm, out_hbm,
                      cidx_v, rows_v, lut_sh, gsem, wsem):
        wid = lax.axis_index("s") * _NC + lax.axis_index("c")
        base = wid * _BPW

        sid = lax.axis_index("s")
        rows_per_tile = _LUT_ROWS // _NS
        lrows = pl.ds(sid * rows_per_tile, rows_per_tile)
        pltpu.sync_copy(lut_hbm.at[lrows], lut_sh.at[lrows])
        pltpu.sync_copy(cidx_hbm.at[wid], cidx_v)
        plsc.subcore_barrier()
        gathers = [
            pltpu.async_copy(lut_sh.at[cidx_v.at[j]],
                             rows_v.at[pl.ds(j * _CH, _CH)], gsem)
            for j in range(_NCH)
        ]
        writes = []
        for j in range(_NCH):
            gathers[j].wait()
            writes.append(
                pltpu.async_copy(rows_v.at[pl.ds(j * _CH, _CH)],
                                 out_hbm.at[pl.ds(base + j * _CH, _CH)], wsem))
        for w in writes:
            w.wait()

    return gather_kernel


def kernel(aff_idx, mat_idx, aff_table, mat_table, W, b):
    lut3, cidx2d = _lut_call(aff_table, mat_table, W, b.reshape(1, _OUT_DIM),
                             aff_idx.astype(jnp.int32).reshape(128, 128),
                             mat_idx.astype(jnp.int32).reshape(128, 128))
    lut = lut3.reshape(_N_AFF * _N_MAT, _OUT_DIM)
    cidx = cidx2d.reshape(_NW, _NCH, _CH)
    return _make_gather_kernel()(cidx, lut)

# --- scband reference (transcript-rebuilt; emitter-appended) ---
"""Pipeline reference for scband-part-encoder-15187004359066 (READ-ONLY COPY).

The authoritative reference and input builder live on the scoring server;
editing this copy changes nothing except your own understanding.
"""

import jax, jax.numpy as jnp
import numpy as np

NUM_AFF = 16
NUM_MAT = 16
AFF_DIM = 64
MAT_DIM = 64
OUT_DIM = 128
BATCH = 16384


def setup_inputs(seed: int = 0) -> dict:
    key = jax.random.key(seed)
    k1, k2, k3, k4, k5, k6 = jax.random.split(key, 6)
    aff_idx = jax.random.randint(k1, (BATCH,), 0, NUM_AFF, dtype=jnp.int64 if jax.config.jax_enable_x64 else jnp.int32)
    mat_idx = jax.random.randint(k2, (BATCH,), 0, NUM_MAT, dtype=jnp.int64 if jax.config.jax_enable_x64 else jnp.int32)
    aff_table = jax.random.normal(k3, (NUM_AFF, AFF_DIM), dtype=jnp.float32)
    mat_table = jax.random.normal(k4, (NUM_MAT, MAT_DIM), dtype=jnp.float32)
    W = jax.random.normal(k5, (OUT_DIM, AFF_DIM + MAT_DIM), dtype=jnp.float32) * (1.0 / np.sqrt(AFF_DIM + MAT_DIM))
    b = jax.random.normal(k6, (OUT_DIM,), dtype=jnp.float32) * 0.01
    return {"aff_idx": aff_idx, "mat_idx": mat_idx, "aff_table": aff_table, "mat_table": mat_table, "W": W, "b": b}


def reference(aff_idx, mat_idx, aff_table, mat_table, W, b):
    # embedding lookups (gather)
    aff_embeds = jnp.take(aff_table, aff_idx, axis=0)   # [B, AFF_DIM]
    mat_embeds = jnp.take(mat_table, mat_idx, axis=0)   # [B, MAT_DIM]
    part_embeds = jnp.concatenate((aff_embeds, mat_embeds), axis=-1)  # [B, AFF+MAT]
    part_encodes = jax.nn.relu(part_embeds @ W.T + b)   # [B, OUT_DIM]
    return part_encodes

if __name__ == "__main__":
    import jax
    _d = setup_inputs()
    print(jax.jit(kernel)(*tuple(_d.values())))

</pallas_src>

<mosaic_0001>
#map = affine_map<(d0, d1) -> (0, 0, 0)>
#map1 = affine_map<(d0, d1) -> (0, 0)>
module attributes {stable_mosaic.version = 14 : i64} {
  func.func @gather_kernel(%arg0: i32, %arg1: i32, %arg2: memref<32x4x128xi32, #tpu.memory_space<hbm>>, %arg3: memref<256x128xf32, #tpu.memory_space<hbm>>, %arg4: memref<16384x128xf32, #tpu.memory_space<hbm>>, %arg5: memref<4x128xi32, #tpu.memory_space<vmem>>, %arg6: memref<512x128xf32, #tpu.memory_space<vmem>>, %arg7: memref<256x128xf32, #tpu.memory_space<vmem_shared>>, %arg8: memref<!tpu.dma_semaphore, #tpu.memory_space<semaphore_mem>>, %arg9: memref<!tpu.dma_semaphore, #tpu.memory_space<semaphore_mem>>) attributes {dimension_semantics = [#tpu.dimension_semantics<core_parallel>, #tpu.dimension_semantics<subcore_parallel>], iteration_bounds = array<i64: 2, 16>, scalar_prefetch = 0 : i64, scratch_operands = 5 : i64, tpu.core_type = #tpu.core_type<sc_vector_subcore>, window_params = [{transform_indices = #map}, {transform_indices = #map1}, {transform_indices = #map1}]} {
    %mul3A = arith.constant 2 : i32
    %mul3A_0 = arith.muli %arg1, %mul3A : i32
    %add3A = arith.addi %mul3A_0, %arg0 : i32
    %mul3A_1 = arith.constant 512 : i32
    %mul3A_2 = arith.muli %add3A, %mul3A_1 : i32
    %mul3A_3 = arith.constant 16 : i32
    %mul3A_4 = arith.muli %arg1, %mul3A_3 : i32
    "tpu.region"() ({
      %run_scoped3A = tpu.sem_alloc : memref<!tpu.dma_semaphore, #tpu.memory_space<semaphore_mem>>
      %dma_start3A_171 = arith.constant 0 : i32
      %dma_start3A_172 = tpu.memref_slice %arg7[%mul3A_4, %dma_start3A_171] : memref<256x128xf32, #tpu.memory_space<vmem_shared>> -> memref<16x128xf32, #tpu.memory_space<vmem_shared>>
      %dma_start3A_173 = arith.constant 0 : i32
      %dma_start3A_174 = tpu.memref_slice %arg3[%mul3A_4, %dma_start3A_173] : memref<256x128xf32, #tpu.memory_space<hbm>> -> memref<16x128xf32, #tpu.memory_space<hbm>>
      tpu.enqueue_dma source(%dma_start3A_174 : memref<16x128xf32, #tpu.memory_space<hbm>>) target(%dma_start3A_172 : memref<16x128xf32, #tpu.memory_space<vmem_shared>>) target_semaphore(%run_scoped3A : memref<!tpu.dma_semaphore, #tpu.memory_space<semaphore_mem>>)
      %dma_wait3A_175 = arith.constant 0 : i32
      %dma_wait3A_176 = tpu.memref_slice %arg7[%mul3A_4, %dma_wait3A_175] : memref<256x128xf32, #tpu.memory_space<vmem_shared>> -> memref<16x128xf32, #tpu.memory_space<vmem_shared>>
      %dma_wait3A_177 = arith.constant 0 : i32
      %dma_wait3A_178 = tpu.memref_slice %arg3[%mul3A_4, %dma_wait3A_177] : memref<256x128xf32, #tpu.memory_space<hbm>> -> memref<16x128xf32, #tpu.memory_space<hbm>>
      tpu.wait_dma2 semaphore(%run_scoped3A : memref<!tpu.dma_semaphore, #tpu.memory_space<semaphore_mem>>) src(%dma_wait3A_178 : memref<16x128xf32, #tpu.memory_space<hbm>>) dst(%dma_wait3A_176 : memref<16x128xf32, #tpu.memory_space<vmem_shared>>)
      tpu.yield
    }) : () -> ()
    "tpu.region"() ({
      %run_scoped3A = tpu.sem_alloc : memref<!tpu.dma_semaphore, #tpu.memory_space<semaphore_mem>>
      %dma_start3A_171 = arith.constant 0 : i32
      %dma_start3A_172 = arith.constant 0 : i32
      %dma_start3A_173 = tpu.memref_slice %arg2[%add3A, %dma_start3A_171, %dma_start3A_172] : memref<32x4x128xi32, #tpu.memory_space<hbm>> -> memref<1x4x128xi32, #tpu.memory_space<hbm>>
      %dma_start3A_174 = tpu.memref_squeeze %dma_start3A_173 : memref<1x4x128xi32, #tpu.memory_space<hbm>> -> memref<4x128xi32, #tpu.memory_space<hbm>>
      %dma_start3A_175 = arith.constant 0 : i32
      %dma_start3A_176 = arith.constant 0 : i32
      %dma_start3A_177 = tpu.memref_slice %arg2[%add3A, %dma_start3A_175, %dma_start3A_176] : memref<32x4x128xi32, #tpu.memory_space<hbm>> -> memref<1x4x128xi32, #tpu.memory_space<hbm>>
      %dma_start3A_178 = tpu.memref_squeeze %dma_start3A_177 : memref<1x4x128xi32, #tpu.memory_space<hbm>> -> memref<4x128xi32, #tpu.memory_space<hbm>>
      tpu.enqueue_dma source(%dma_start3A_178 : memref<4x128xi32, #tpu.memory_space<hbm>>) target(%arg5 : memref<4x128xi32, #tpu.memory_space<vmem>>) target_semaphore(%run_scoped3A : memref<!tpu.dma_semaphore, #tpu.memory_space<semaphore_mem>>)
      %dma_wait3A_179 = arith.constant 0 : i32
      %dma_wait3A_180 = arith.constant 0 : i32
      %dma_wait3A_181 = tpu.memref_slice %arg2[%add3A, %dma_wait3A_179, %dma_wait3A_180] : memref<32x4x128xi32, #tpu.memory_space<hbm>> -> memref<1x4x128xi32, #tpu.memory_space<hbm>>
      %dma_wait3A_182 = tpu.memref_squeeze %dma_wait3A_181 : memref<1x4x128xi32, #tpu.memory_space<hbm>> -> memref<4x128xi32, #tpu.memory_space<hbm>>
      %dma_wait3A_183 = arith.constant 0 : i32
      %dma_wait3A_184 = arith.constant 0 : i32
      %dma_wait3A_185 = tpu.memref_slice %arg2[%add3A, %dma_wait3A_183, %dma_wait3A_184] : memref<32x4x128xi32, #tpu.memory_space<hbm>> -> memref<1x4x128xi32, #tpu.memory_space<hbm>>
      %dma_wait3A_186 = tpu.memref_squeeze %dma_wait3A_185 : memref<1x4x128xi32, #tpu.memory_space<hbm>> -> memref<4x128xi32, #tpu.memory_space<hbm>>
      tpu.wait_dma2 semaphore(%run_scoped3A : memref<!tpu.dma_semaphore, #tpu.memory_space<semaphore_mem>>) src(%dma_wait3A_186 : memref<4x128xi32, #tpu.memory_space<hbm>>) dst(%arg5 : memref<4x128xi32, #tpu.memory_space<vmem>>)
      tpu.yield
    }) : () -> ()
    %barrier3A = arith.constant 0 : index
    tpu.barrier barrier_id(%barrier3A)
    %dma_start3A = arith.constant 0 : i32
    %dma_start3A_5 = arith.constant 0 : i32
    %dma_start3A_6 = arith.constant 0 : i32
    %dma_start3A_7 = tpu.memref_slice %arg6[%dma_start3A_5, %dma_start3A_6] : memref<512x128xf32, #tpu.memory_space<vmem>> -> memref<128x128xf32, #tpu.memory_space<vmem>>
    %dma_start3A_8 = arith.constant 0 : i32
    %dma_start3A_9 = tpu.memref_slice %arg5[%dma_start3A, %dma_start3A_8] : memref<4x128xi32, #tpu.memory_space<vmem>> -> memref<1x128xi32, #tpu.memory_space<vmem>>
    %dma_start3A_10 = tpu.memref_squeeze %dma_start3A_9 : memref<1x128xi32, #tpu.memory_space<vmem>> -> memref<128xi32, #tpu.memory_space<vmem>>
    %dma_start3A_11 = arith.constant 0 : i32
    %dma_start3A_12 = arith.constant 0 : i32
    %dma_start3A_13 = tpu.memref_slice %arg7[%dma_start3A_11, %dma_start3A_12] : memref<256x128xf32, #tpu.memory_space<vmem_shared>> -> memref<256x128xf32, #tpu.memory_space<vmem_shared>>
    tpu.enqueue_indirect_dma source(%dma_start3A_13 : memref<256x128xf32, #tpu.memory_space<vmem_shared>>) target(%dma_start3A_7 : memref<128x128xf32, #tpu.memory_space<vmem>>) offsets(%dma_start3A_10 : memref<128xi32, #tpu.memory_space<vmem>>) semaphore(%arg8 : memref<!tpu.dma_semaphore, #tpu.memory_space<semaphore_mem>>)
    %dma_start3A_14 = arith.constant 1 : i32
    %dma_start3A_15 = arith.constant 128 : i32
    %dma_start3A_16 = arith.constant 0 : i32
    %dma_start3A_17 = tpu.memref_slice %arg6[%dma_start3A_15, %dma_start3A_16] : memref<512x128xf32, #tpu.memory_space<vmem>> -> memref<128x128xf32, #tpu.memory_space<vmem>>
    %dma_start3A_18 = arith.constant 0 : i32
    %dma_start3A_19 = tpu.memref_slice %arg5[%dma_start3A_14, %dma_start3A_18] : memref<4x128xi32, #tpu.memory_space<vmem>> -> memref<1x128xi32, #tpu.memory_space<vmem>>
    %dma_start3A_20 = tpu.memref_squeeze %dma_start3A_19 : memref<1x128xi32, #tpu.memory_space<vmem>> -> memref<128xi32, #tpu.memory_space<vmem>>
    %dma_start3A_21 = arith.constant 0 : i32
    %dma_start3A_22 = arith.constant 0 : i32
    %dma_start3A_23 = tpu.memref_slice %arg7[%dma_start3A_21, %dma_start3A_22] : memref<256x128xf32, #tpu.memory_space<vmem_shared>> -> memref<256x128xf32, #tpu.memory_space<vmem_shared>>
    tpu.enqueue_indirect_dma source(%dma_start3A_23 : memref<256x128xf32, #tpu.memory_space<vmem_shared>>) target(%dma_start3A_17 : memref<128x128xf32, #tpu.memory_space<vmem>>) offsets(%dma_start3A_20 : memref<128xi32, #tpu.memory_space<vmem>>) semaphore(%arg8 : memref<!tpu.dma_semaphore, #tpu.memory_space<semaphore_mem>>)
    %dma_start3A_24 = arith.constant 2 : i32
    %dma_start3A_25 = arith.constant 256 : i32
    %dma_start3A_26 = arith.constant 0 : i32
    %dma_start3A_27 = tpu.memref_slice %arg6[%dma_start3A_25, %dma_start3A_26] : memref<512x128xf32, #tpu.memory_space<vmem>> -> memref<128x128xf32, #tpu.memory_space<vmem>>
    %dma_start3A_28 = arith.constant 0 : i32
    %dma_start3A_29 = tpu.memref_slice %arg5[%dma_start3A_24, %dma_start3A_28] : memref<4x128xi32, #tpu.memory_space<vmem>> -> memref<1x128xi32, #tpu.memory_space<vmem>>
    %dma_start3A_30 = tpu.memref_squeeze %dma_start3A_29 : memref<1x128xi32, #tpu.memory_space<vmem>> -> memref<128xi32, #tpu.memory_space<vmem>>
    %dma_start3A_31 = arith.constant 0 : i32
    %dma_start3A_32 = arith.constant 0 : i32
    %dma_start3A_33 = tpu.memref_slice %arg7[%dma_start3A_31, %dma_start3A_32] : memref<256x128xf32, #tpu.memory_space<vmem_shared>> -> memref<256x128xf32, #tpu.memory_space<vmem_shared>>
    tpu.enqueue_indirect_dma source(%dma_start3A_33 : memref<256x128xf32, #tpu.memory_space<vmem_shared>>) target(%dma_start3A_27 : memref<128x128xf32, #tpu.memory_space<vmem>>) offsets(%dma_start3A_30 : memref<128xi32, #tpu.memory_space<vmem>>) semaphore(%arg8 : memref<!tpu.dma_semaphore, #tpu.memory_space<semaphore_mem>>)
    %dma_start3A_34 = arith.constant 3 : i32
    %dma_start3A_35 = arith.constant 384 : i32
    %dma_start3A_36 = arith.constant 0 : i32
    %dma_start3A_37 = tpu.memref_slice %arg6[%dma_start3A_35, %dma_start3A_36] : memref<512x128xf32, #tpu.memory_space<vmem>> -> memref<128x128xf32, #tpu.memory_space<vmem>>
    %dma_start3A_38 = arith.constant 0 : i32
    %dma_start3A_39 = tpu.memref_slice %arg5[%dma_start3A_34, %dma_start3A_38] : memref<4x128xi32, #tpu.memory_space<vmem>> -> memref<1x128xi32, #tpu.memory_space<vmem>>
    %dma_start3A_40 = tpu.memref_squeeze %dma_start3A_39 : memref<1x128xi32, #tpu.memory_space<vmem>> -> memref<128xi32, #tpu.memory_space<vmem>>
    %dma_start3A_41 = arith.constant 0 : i32
    %dma_start3A_42 = arith.constant 0 : i32
    %dma_start3A_43 = tpu.memref_slice %arg7[%dma_start3A_41, %dma_start3A_42] : memref<256x128xf32, #tpu.memory_space<vmem_shared>> -> memref<256x128xf32, #tpu.memory_space<vmem_shared>>
    tpu.enqueue_indirect_dma source(%dma_start3A_43 : memref<256x128xf32, #tpu.memory_space<vmem_shared>>) target(%dma_start3A_37 : memref<128x128xf32, #tpu.memory_space<vmem>>) offsets(%dma_start3A_40 : memref<128xi32, #tpu.memory_space<vmem>>) semaphore(%arg8 : memref<!tpu.dma_semaphore, #tpu.memory_space<semaphore_mem>>)
    %dma_wait3A = arith.constant 0 : i32
    %dma_wait3A_44 = arith.constant 0 : i32
    %dma_wait3A_45 = arith.constant 0 : i32
    %dma_wait3A_46 = tpu.memref_slice %arg6[%dma_wait3A_44, %dma_wait3A_45] : memref<512x128xf32, #tpu.memory_space<vmem>> -> memref<128x128xf32, #tpu.memory_space<vmem>>
    %dma_wait3A_47 = arith.constant 0 : i32
    %dma_wait3A_48 = tpu.memref_slice %arg5[%dma_wait3A, %dma_wait3A_47] : memref<4x128xi32, #tpu.memory_space<vmem>> -> memref<1x128xi32, #tpu.memory_space<vmem>>
    %dma_wait3A_49 = tpu.memref_squeeze %dma_wait3A_48 : memref<1x128xi32, #tpu.memory_space<vmem>> -> memref<128xi32, #tpu.memory_space<vmem>>
    %dma_wait3A_50 = arith.constant 0 : i32
    %dma_wait3A_51 = arith.constant 0 : i32
    %dma_wait3A_52 = tpu.memref_slice %arg7[%dma_wait3A_50, %dma_wait3A_51] : memref<256x128xf32, #tpu.memory_space<vmem_shared>> -> memref<256x128xf32, #tpu.memory_space<vmem_shared>>
    tpu.wait_indirect_dma semaphore(%arg8 : memref<!tpu.dma_semaphore, #tpu.memory_space<semaphore_mem>>) src(%dma_wait3A_52 : memref<256x128xf32, #tpu.memory_space<vmem_shared>>) dst(%dma_wait3A_46 : memref<128x128xf32, #tpu.memory_space<vmem>>)
    %add3A_53 = arith.constant 0 : i32
    %add3A_54 = arith.addi %mul3A_2, %add3A_53 : i32
    %dma_start3A_55 = arith.constant 0 : i32
    %dma_start3A_56 = arith.constant 0 : i32
    %dma_start3A_57 = tpu.memref_slice %arg6[%dma_start3A_55, %dma_start3A_56] : memref<512x128xf32, #tpu.memory_space<vmem>> -> memref<128x128xf32, #tpu.memory_space<vmem>>
    %dma_start3A_58 = arith.constant 0 : i32
    %dma_start3A_59 = tpu.memref_slice %arg4[%add3A_54, %dma_start3A_58] : memref<16384x128xf32, #tpu.memory_space<hbm>> -> memref<128x128xf32, #tpu.memory_space<hbm>>
    %dma_start3A_60 = arith.constant 0 : i32
    %dma_start3A_61 = tpu.memref_slice %arg4[%add3A_54, %dma_start3A_60] : memref<16384x128xf32, #tpu.memory_space<hbm>> -> memref<128x128xf32, #tpu.memory_space<hbm>>
    %dma_start3A_62 = arith.constant 0 : i32
    %dma_start3A_63 = arith.constant 0 : i32
    %dma_start3A_64 = tpu.memref_slice %arg6[%dma_start3A_62, %dma_start3A_63] : memref<512x128xf32, #tpu.memory_space<vmem>> -> memref<128x128xf32, #tpu.memory_space<vmem>>
    tpu.enqueue_dma source(%dma_start3A_64 : memref<128x128xf32, #tpu.memory_space<vmem>>) target(%dma_start3A_61 : memref<128x128xf32, #tpu.memory_space<hbm>>) target_semaphore(%arg9 : memref<!tpu.dma_semaphore, #tpu.memory_space<semaphore_mem>>)
    %dma_wait3A_65 = arith.constant 1 : i32
    %dma_wait3A_66 = arith.constant 128 : i32
    %dma_wait3A_67 = arith.constant 0 : i32
    %dma_wait3A_68 = tpu.memref_slice %arg6[%dma_wait3A_66, %dma_wait3A_67] : memref<512x128xf32, #tpu.memory_space<vmem>> -> memref<128x128xf32, #tpu.memory_space<vmem>>
    %dma_wait3A_69 = arith.constant 0 : i32
    %dma_wait3A_70 = tpu.memref_slice %arg5[%dma_wait3A_65, %dma_wait3A_69] : memref<4x128xi32, #tpu.memory_space<vmem>> -> memref<1x128xi32, #tpu.memory_space<vmem>>
    %dma_wait3A_71 = tpu.memref_squeeze %dma_wait3A_70 : memref<1x128xi32, #tpu.memory_space<vmem>> -> memref<128xi32, #tpu.memory_space<vmem>>
    %dma_wait3A_72 = arith.constant 0 : i32
    %dma_wait3A_73 = arith.constant 0 : i32
    %dma_wait3A_74 = tpu.memref_slice %arg7[%dma_wait3A_72, %dma_wait3A_73] : memref<256x128xf32, #tpu.memory_space<vmem_shared>> -> memref<256x128xf32, #tpu.memory_space<vmem_shared>>
    tpu.wait_indirect_dma semaphore(%arg8 : memref<!tpu.dma_semaphore, #tpu.memory_space<semaphore_mem>>) src(%dma_wait3A_74 : memref<256x128xf32, #tpu.memory_space<vmem_shared>>) dst(%dma_wait3A_68 : memref<128x128xf32, #tpu.memory_space<vmem>>)
    %add3A_75 = arith.constant 128 : i32
    %add3A_76 = arith.addi %mul3A_2, %add3A_75 : i32
    %dma_start3A_77 = arith.constant 128 : i32
    %dma_start3A_78 = arith.constant 0 : i32
    %dma_start3A_79 = tpu.memref_slice %arg6[%dma_start3A_77, %dma_start3A_78] : memref<512x128xf32, #tpu.memory_space<vmem>> -> memref<128x128xf32, #tpu.memory_space<vmem>>
    %dma_start3A_80 = arith.constant 0 : i32
    %dma_start3A_81 = tpu.memref_slice %arg4[%add3A_76, %dma_start3A_80] : memref<16384x128xf32, #tpu.memory_space<hbm>> -> memref<128x128xf32, #tpu.memory_space<hbm>>
    %dma_start3A_82 = arith.constant 0 : i32
    %dma_start3A_83 = tpu.memref_slice %arg4[%add3A_76, %dma_start3A_82] : memref<16384x128xf32, #tpu.memory_space<hbm>> -> memref<128x128xf32, #tpu.memory_space<hbm>>
    %dma_start3A_84 = arith.constant 128 : i32
    %dma_start3A_85 = arith.constant 0 : i32
    %dma_start3A_86 = tpu.memref_slice %arg6[%dma_start3A_84, %dma_start3A_85] : memref<512x128xf32, #tpu.memory_space<vmem>> -> memref<128x128xf32, #tpu.memory_space<vmem>>
    tpu.enqueue_dma source(%dma_start3A_86 : memref<128x128xf32, #tpu.memory_space<vmem>>) target(%dma_start3A_83 : memref<128x128xf32, #tpu.memory_space<hbm>>) target_semaphore(%arg9 : memref<!tpu.dma_semaphore, #tpu.memory_space<semaphore_mem>>)
    %dma_wait3A_87 = arith.constant 2 : i32
    %dma_wait3A_88 = arith.constant 256 : i32
    %dma_wait3A_89 = arith.constant 0 : i32
    %dma_wait3A_90 = tpu.memref_slice %arg6[%dma_wait3A_88, %dma_wait3A_89] : memref<512x128xf32, #tpu.memory_space<vmem>> -> memref<128x128xf32, #tpu.memory_space<vmem>>
    %dma_wait3A_91 = arith.constant 0 : i32
    %dma_wait3A_92 = tpu.memref_slice %arg5[%dma_wait3A_87, %dma_wait3A_91] : memref<4x128xi32, #tpu.memory_space<vmem>> -> memref<1x128xi32, #tpu.memory_space<vmem>>
    %dma_wait3A_93 = tpu.memref_squeeze %dma_wait3A_92 : memref<1x128xi32, #tpu.memory_space<vmem>> -> memref<128xi32, #tpu.memory_space<vmem>>
    %dma_wait3A_94 = arith.constant 0 : i32
    %dma_wait3A_95 = arith.constant 0 : i32
    %dma_wait3A_96 = tpu.memref_slice %arg7[%dma_wait3A_94, %dma_wait3A_95] : memref<256x128xf32, #tpu.memory_space<vmem_shared>> -> memref<256x128xf32, #tpu.memory_space<vmem_shared>>
    tpu.wait_indirect_dma semaphore(%arg8 : memref<!tpu.dma_semaphore, #tpu.memory_space<semaphore_mem>>) src(%dma_wait3A_96 : memref<256x128xf32, #tpu.memory_space<vmem_shared>>) dst(%dma_wait3A_90 : memref<128x128xf32, #tpu.memory_space<vmem>>)
    %add3A_97 = arith.constant 256 : i32
    %add3A_98 = arith.addi %mul3A_2, %add3A_97 : i32
    %dma_start3A_99 = arith.constant 256 : i32
    %dma_start3A_100 = arith.constant 0 : i32
    %dma_start3A_101 = tpu.memref_slice %arg6[%dma_start3A_99, %dma_start3A_100] : memref<512x128xf32, #tpu.memory_space<vmem>> -> memref<128x128xf32, #tpu.memory_space<vmem>>
    %dma_start3A_102 = arith.constant 0 : i32
    %dma_start3A_103 = tpu.memref_slice %arg4[%add3A_98, %dma_start3A_102] : memref<16384x128xf32, #tpu.memory_space<hbm>> -> memref<128x128xf32, #tpu.memory_space<hbm>>
    %dma_start3A_104 = arith.constant 0 : i32
    %dma_start3A_105 = tpu.memref_slice %arg4[%add3A_98, %dma_start3A_104] : memref<16384x128xf32, #tpu.memory_space<hbm>> -> memref<128x128xf32, #tpu.memory_space<hbm>>
    %dma_start3A_106 = arith.constant 256 : i32
    %dma_start3A_107 = arith.constant 0 : i32
    %dma_start3A_108 = tpu.memref_slice %arg6[%dma_start3A_106, %dma_start3A_107] : memref<512x128xf32, #tpu.memory_space<vmem>> -> memref<128x128xf32, #tpu.memory_space<vmem>>
    tpu.enqueue_dma source(%dma_start3A_108 : memref<128x128xf32, #tpu.memory_space<vmem>>) target(%dma_start3A_105 : memref<128x128xf32, #tpu.memory_space<hbm>>) target_semaphore(%arg9 : memref<!tpu.dma_semaphore, #tpu.memory_space<semaphore_mem>>)
    %dma_wait3A_109 = arith.constant 3 : i32
    %dma_wait3A_110 = arith.constant 384 : i32
    %dma_wait3A_111 = arith.constant 0 : i32
    %dma_wait3A_112 = tpu.memref_slice %arg6[%dma_wait3A_110, %dma_wait3A_111] : memref<512x128xf32, #tpu.memory_space<vmem>> -> memref<128x128xf32, #tpu.memory_space<vmem>>
    %dma_wait3A_113 = arith.constant 0 : i32
    %dma_wait3A_114 = tpu.memref_slice %arg5[%dma_wait3A_109, %dma_wait3A_113] : memref<4x128xi32, #tpu.memory_space<vmem>> -> memref<1x128xi32, #tpu.memory_space<vmem>>
    %dma_wait3A_115 = tpu.memref_squeeze %dma_wait3A_114 : memref<1x128xi32, #tpu.memory_space<vmem>> -> memref<128xi32, #tpu.memory_space<vmem>>
    %dma_wait3A_116 = arith.constant 0 : i32
    %dma_wait3A_117 = arith.constant 0 : i32
    %dma_wait3A_118 = tpu.memref_slice %arg7[%dma_wait3A_116, %dma_wait3A_117] : memref<256x128xf32, #tpu.memory_space<vmem_shared>> -> memref<256x128xf32, #tpu.memory_space<vmem_shared>>
    tpu.wait_indirect_dma semaphore(%arg8 : memref<!tpu.dma_semaphore, #tpu.memory_space<semaphore_mem>>) src(%dma_wait3A_118 : memref<256x128xf32, #tpu.memory_space<vmem_shared>>) dst(%dma_wait3A_112 : memref<128x128xf32, #tpu.memory_space<vmem>>)
    %add3A_119 = arith.constant 384 : i32
    %add3A_120 = arith.addi %mul3A_2, %add3A_119 : i32
    %dma_start3A_121 = arith.constant 384 : i32
    %dma_start3A_122 = arith.constant 0 : i32
    %dma_start3A_123 = tpu.memref_slice %arg6[%dma_start3A_121, %dma_start3A_122] : memref<512x128xf32, #tpu.memory_space<vmem>> -> memref<128x128xf32, #tpu.memory_space<vmem>>
    %dma_start3A_124 = arith.constant 0 : i32
    %dma_start3A_125 = tpu.memref_slice %arg4[%add3A_120, %dma_start3A_124] : memref<16384x128xf32, #tpu.memory_space<hbm>> -> memref<128x128xf32, #tpu.memory_space<hbm>>
    %dma_start3A_126 = arith.constant 0 : i32
    %dma_start3A_127 = tpu.memref_slice %arg4[%add3A_120, %dma_start3A_126] : memref<16384x128xf32, #tpu.memory_space<hbm>> -> memref<128x128xf32, #tpu.memory_space<hbm>>
    %dma_start3A_128 = arith.constant 384 : i32
    %dma_start3A_129 = arith.constant 0 : i32
    %dma_start3A_130 = tpu.memref_slice %arg6[%dma_start3A_128, %dma_start3A_129] : memref<512x128xf32, #tpu.memory_space<vmem>> -> memref<128x128xf32, #tpu.memory_space<vmem>>
    tpu.enqueue_dma source(%dma_start3A_130 : memref<128x128xf32, #tpu.memory_space<vmem>>) target(%dma_start3A_127 : memref<128x128xf32, #tpu.memory_space<hbm>>) target_semaphore(%arg9 : memref<!tpu.dma_semaphore, #tpu.memory_space<semaphore_mem>>)
    %dma_wait3A_131 = arith.constant 0 : i32
    %dma_wait3A_132 = arith.constant 0 : i32
    %dma_wait3A_133 = tpu.memref_slice %arg6[%dma_wait3A_131, %dma_wait3A_132] : memref<512x128xf32, #tpu.memory_space<vmem>> -> memref<128x128xf32, #tpu.memory_space<vmem>>
    %dma_wait3A_134 = arith.constant 0 : i32
    %dma_wait3A_135 = tpu.memref_slice %arg4[%add3A_54, %dma_wait3A_134] : memref<16384x128xf32, #tpu.memory_space<hbm>> -> memref<128x128xf32, #tpu.memory_space<hbm>>
    %dma_wait3A_136 = arith.constant 0 : i32
    %dma_wait3A_137 = tpu.memref_slice %arg4[%add3A_54, %dma_wait3A_136] : memref<16384x128xf32, #tpu.memory_space<hbm>> -> memref<128x128xf32, #tpu.memory_space<hbm>>
    %dma_wait3A_138 = arith.constant 0 : i32
    %dma_wait3A_139 = arith.constant 0 : i32
    %dma_wait3A_140 = tpu.memref_slice %arg6[%dma_wait3A_138, %dma_wait3A_139] : memref<512x128xf32, #tpu.memory_space<vmem>> -> memref<128x128xf32, #tpu.memory_space<vmem>>
    tpu.wait_dma2 semaphore(%arg9 : memref<!tpu.dma_semaphore, #tpu.memory_space<semaphore_mem>>) src(%dma_wait3A_140 : memref<128x128xf32, #tpu.memory_space<vmem>>) dst(%dma_wait3A_137 : memref<128x128xf32, #tpu.memory_space<hbm>>)
    %dma_wait3A_141 = arith.constant 128 : i32
    %dma_wait3A_142 = arith.constant 0 : i32
    %dma_wait3A_143 = tpu.memref_slice %arg6[%dma_wait3A_141, %dma_wait3A_142] : memref<512x128xf32, #tpu.memory_space<vmem>> -> memref<128x128xf32, #tpu.memory_space<vmem>>
    %dma_wait3A_144 = arith.constant 0 : i32
    %dma_wait3A_145 = tpu.memref_slice %arg4[%add3A_76, %dma_wait3A_144] : memref<16384x128xf32, #tpu.memory_space<hbm>> -> memref<128x128xf32, #tpu.memory_space<hbm>>
    %dma_wait3A_146 = arith.constant 0 : i32
    %dma_wait3A_147 = tpu.memref_slice %arg4[%add3A_76, %dma_wait3A_146] : memref<16384x128xf32, #tpu.memory_space<hbm>> -> memref<128x128xf32, #tpu.memory_space<hbm>>
    %dma_wait3A_148 = arith.constant 128 : i32
    %dma_wait3A_149 = arith.constant 0 : i32
    %dma_wait3A_150 = tpu.memref_slice %arg6[%dma_wait3A_148, %dma_wait3A_149] : memref<512x128xf32, #tpu.memory_space<vmem>> -> memref<128x128xf32, #tpu.memory_space<vmem>>
    tpu.wait_dma2 semaphore(%arg9 : memref<!tpu.dma_semaphore, #tpu.memory_space<semaphore_mem>>) src(%dma_wait3A_150 : memref<128x128xf32, #tpu.memory_space<vmem>>) dst(%dma_wait3A_147 : memref<128x128xf32, #tpu.memory_space<hbm>>)
    %dma_wait3A_151 = arith.constant 256 : i32
    %dma_wait3A_152 = arith.constant 0 : i32
    %dma_wait3A_153 = tpu.memref_slice %arg6[%dma_wait3A_151, %dma_wait3A_152] : memref<512x128xf32, #tpu.memory_space<vmem>> -> memref<128x128xf32, #tpu.memory_space<vmem>>
    %dma_wait3A_154 = arith.constant 0 : i32
    %dma_wait3A_155 = tpu.memref_slice %arg4[%add3A_98, %dma_wait3A_154] : memref<16384x128xf32, #tpu.memory_space<hbm>> -> memref<128x128xf32, #tpu.memory_space<hbm>>
    %dma_wait3A_156 = arith.constant 0 : i32
    %dma_wait3A_157 = tpu.memref_slice %arg4[%add3A_98, %dma_wait3A_156] : memref<16384x128xf32, #tpu.memory_space<hbm>> -> memref<128x128xf32, #tpu.memory_space<hbm>>
    %dma_wait3A_158 = arith.constant 256 : i32
    %dma_wait3A_159 = arith.constant 0 : i32
    %dma_wait3A_160 = tpu.memref_slice %arg6[%dma_wait3A_158, %dma_wait3A_159] : memref<512x128xf32, #tpu.memory_space<vmem>> -> memref<128x128xf32, #tpu.memory_space<vmem>>
    tpu.wait_dma2 semaphore(%arg9 : memref<!tpu.dma_semaphore, #tpu.memory_space<semaphore_mem>>) src(%dma_wait3A_160 : memref<128x128xf32, #tpu.memory_space<vmem>>) dst(%dma_wait3A_157 : memref<128x128xf32, #tpu.memory_space<hbm>>)
    %dma_wait3A_161 = arith.constant 384 : i32
    %dma_wait3A_162 = arith.constant 0 : i32
    %dma_wait3A_163 = tpu.memref_slice %arg6[%dma_wait3A_161, %dma_wait3A_162] : memref<512x128xf32, #tpu.memory_space<vmem>> -> memref<128x128xf32, #tpu.memory_space<vmem>>
    %dma_wait3A_164 = arith.constant 0 : i32
    %dma_wait3A_165 = tpu.memref_slice %arg4[%add3A_120, %dma_wait3A_164] : memref<16384x128xf32, #tpu.memory_space<hbm>> -> memref<128x128xf32, #tpu.memory_space<hbm>>
    %dma_wait3A_166 = arith.constant 0 : i32
    %dma_wait3A_167 = tpu.memref_slice %arg4[%add3A_120, %dma_wait3A_166] : memref<16384x128xf32, #tpu.memory_space<hbm>> -> memref<128x128xf32, #tpu.memory_space<hbm>>
    %dma_wait3A_168 = arith.constant 384 : i32
    %dma_wait3A_169 = arith.constant 0 : i32
    %dma_wait3A_170 = tpu.memref_slice %arg6[%dma_wait3A_168, %dma_wait3A_169] : memref<512x128xf32, #tpu.memory_space<vmem>> -> memref<128x128xf32, #tpu.memory_space<vmem>>
    tpu.wait_dma2 semaphore(%arg9 : memref<!tpu.dma_semaphore, #tpu.memory_space<semaphore_mem>>) src(%dma_wait3A_170 : memref<128x128xf32, #tpu.memory_space<vmem>>) dst(%dma_wait3A_167 : memref<128x128xf32, #tpu.memory_space<hbm>>)
    return
  }
}

module attributes {stable_mosaic.version = 14 : i64} {
  func.func @_lut_body(%arg0: memref<16x64xf32, #tpu.memory_space<vmem>>, %arg1: memref<16x64xf32, #tpu.memory_space<vmem>>, %arg2: memref<128x128xf32, #tpu.memory_space<vmem>>, %arg3: memref<1x128xf32, #tpu.memory_space<vmem>>, %arg4: memref<128x128xi32, #tpu.memory_space<vmem>>, %arg5: memref<128x128xi32, #tpu.memory_space<vmem>>, %arg6: memref<16x16x128xf32, #tpu.memory_space<vmem>>, %arg7: memref<128x128xi32, #tpu.memory_space<vmem>>) attributes {dimension_semantics = [], scalar_prefetch = 0 : i64, scratch_operands = 0 : i64, tpu.core_type = #tpu.core_type<tc>} {
    %get3A = arith.constant 0 : index
    %get3A_0 = arith.constant 0 : index
    %get3A_1 = vector.load %arg2[%get3A, %get3A_0] : memref<128x128xf32, #tpu.memory_space<vmem>>, vector<128x128xf32>
    %get3A_2 = arith.constant 0 : index
    %get3A_3 = arith.constant 0 : index
    %get3A_4 = vector.load %arg0[%get3A_2, %get3A_3] : memref<16x64xf32, #tpu.memory_space<vmem>>, vector<16x64xf32>
    %slice3A = vector.extract_strided_slice %get3A_1 {offsets = [0, 0], sizes = [128, 64], strides = [1, 1]} : vector<128x128xf32> to vector<128x64xf32>
    %dot_general3A = arith.constant dense<0.000000e+00> : vector<16x128xf32>
    %dot_general3A_5 = tpu.matmul %get3A_4, %slice3A, %dot_general3A {dimension_numbers = #tpu.dot_dimension_numbers<[1], [1], [0], [0], [0, 0, 1, 0], [], []>, transpose_lhs_hint = false} : vector<16x64xf32>, vector<128x64xf32>, vector<16x128xf32> -> vector<16x128xf32>
    %get3A_6 = arith.constant 0 : index
    %get3A_7 = arith.constant 0 : index
    %get3A_8 = vector.load %arg1[%get3A_6, %get3A_7] : memref<16x64xf32, #tpu.memory_space<vmem>>, vector<16x64xf32>
    %slice3A_9 = vector.extract_strided_slice %get3A_1 {offsets = [0, 64], sizes = [128, 64], strides = [1, 1]} : vector<128x128xf32> to vector<128x64xf32>
    %dot_general3A_10 = arith.constant dense<0.000000e+00> : vector<16x128xf32>
    %dot_general3A_11 = tpu.matmul %get3A_8, %slice3A_9, %dot_general3A_10 {dimension_numbers = #tpu.dot_dimension_numbers<[1], [1], [0], [0], [0, 0, 1, 0], [], []>, transpose_lhs_hint = false} : vector<16x64xf32>, vector<128x64xf32>, vector<16x128xf32> -> vector<16x128xf32>
    %broadcast_in_dim3A = vector.shape_cast %dot_general3A_5 : vector<16x128xf32> to vector<16x1x128xf32>
    %broadcast_in_dim3A_12 = vector.shape_cast %dot_general3A_11 : vector<16x128xf32> to vector<1x16x128xf32>
    %add3A = vector.broadcast %broadcast_in_dim3A : vector<16x1x128xf32> to vector<16x16x128xf32>
    %add3A_13 = vector.broadcast %broadcast_in_dim3A_12 : vector<1x16x128xf32> to vector<16x16x128xf32>
    %add3A_14 = arith.addf %add3A, %add3A_13 : vector<16x16x128xf32>
    %get3A_15 = arith.constant 0 : index
    %get3A_16 = arith.constant 0 : index
    %get3A_17 = vector.load %arg3[%get3A_15, %get3A_16] : memref<1x128xf32, #tpu.memory_space<vmem>>, vector<1x128xf32>
    %broadcast_in_dim3A_18 = vector.shape_cast %get3A_17 : vector<1x128xf32> to vector<1x1x128xf32>
    %add3A_19 = vector.broadcast %broadcast_in_dim3A_18 : vector<1x1x128xf32> to vector<16x16x128xf32>
    %add3A_20 = arith.addf %add3A_14, %add3A_19 : vector<16x16x128xf32>
    %max3A = arith.constant 0.000000e+00 : f32
    %max3A_21 = vector.broadcast %max3A : f32 to vector<16x16x128xf32>
    %max3A_22 = arith.maximumf %add3A_20, %max3A_21 : vector<16x16x128xf32>
    %swap3A = arith.constant 0 : index
    %swap3A_23 = arith.constant 0 : index
    %swap3A_24 = arith.constant 0 : index
    %swap3A_25 = vector.load %arg6[%swap3A, %swap3A_23, %swap3A_24] : memref<16x16x128xf32, #tpu.memory_space<vmem>>, vector<16x16x128xf32>
    tpu.vector_store %arg6[%swap3A, %swap3A_23, %swap3A_24], %max3A_22 {strides = array<i32>} : memref<16x16x128xf32, #tpu.memory_space<vmem>>, vector<16x16x128xf32>,
    %get3A_26 = arith.constant 0 : index
    %get3A_27 = arith.constant 0 : index
    %get3A_28 = vector.load %arg4[%get3A_26, %get3A_27] : memref<128x128xi32, #tpu.memory_space<vmem>>, vector<128x128xi32>
    %mul3A = arith.constant 16 : i32
    %mul3A_29 = vector.broadcast %mul3A : i32 to vector<128x128xi32>
    %mul3A_30 = arith.muli %get3A_28, %mul3A_29 : vector<128x128xi32>
    %get3A_31 = arith.constant 0 : index
    %get3A_32 = arith.constant 0 : index
    %get3A_33 = vector.load %arg5[%get3A_31, %get3A_32] : memref<128x128xi32, #tpu.memory_space<vmem>>, vector<128x128xi32>
    %add3A_34 = arith.addi %mul3A_30, %get3A_33 : vector<128x128xi32>
    %swap3A_35 = arith.constant 0 : index
    %swap3A_36 = arith.constant 0 : index
    %swap3A_37 = vector.load %arg7[%swap3A_35, %swap3A_36] : memref<128x128xi32, #tpu.memory_space<vmem>>, vector<128x128xi32>
    tpu.vector_store %arg7[%swap3A_35, %swap3A_36], %add3A_34 {strides = array<i32>} : memref<128x128xi32, #tpu.memory_space<vmem>>, vector<128x128xi32>,
    return
  }
}

</mosaic_0001>

<sc_bundles>
// kernel: kernel.4.cloned.1.call-start
scs
__scs_entry_jumppad:
0x0: {  	(pc) =	sbr.rel $0x88, $3  }
0x1: {  	(tag) =	ssettag $0x0;
	lr =	simm.s32 $0x1  }
0x2: {  	[smem:$0x3F9B] =	sst lr;
	_ =	strace $0xD0000000  }
0x3: {  	_ = 	snop  }
0x4: {  	_ = 	snop  }
0x5: {  	_ = 	snop  }
0x6: {  	_ = 	snop  }
0x7: {  	_ = 	snop  }
__scs_overlays_trampoline_lowered:
0x8: {  	[smem:$0x3FAA] =	sst s0  }
0x9: {  	[smem:$0x3FAB] =	sst s1  }
0xa: {  	[smem:$0x3FAC] =	sst s2  }
0xb: {  	[smem:$0x3FAD] =	sst s3  }
0xc: {  	[smem:$0x3FAE] =	sst s4  }
0xd: {  	[smem:$0x3FAF] =	sst s5  }
0xe: {  	[smem:$0x3FB0] =	sst s6  }
0xf: {  	[smem:$0x3FB1] =	sst s7  }
0x10: {  	[smem:$0x3FB2] =	sst s8  }
0x11: {  	[smem:$0x3FB3] =	sst s9;
	s0 =	simm.s32 @!p0 $0x0  }
0x12: {  	s1 =	sld [smem:$0x3F99];
	s0 =	simm.s32 @p0 $0x1  }
0x13: {  	[smem:$0x3FB4] =	sst s0;
	s0 =	simm.s32 @!p1 $0x0  }
0x14: {  	s2 =	sld [smem:$0x3F98];
	s0 =	simm.s32 @p1 $0x1  }
0x15: {  	[smem:$0x3FB5] =	sst s0;
	s0 =	simm.s32 @!p2 $0x0  }
0x16: {  	s3 =	sld [smem:$0x3FDB];
	s0 =	simm.s32 @p2 $0x1  }
0x17: {  	s4 =	simm.s32 $0x1BF5;
	[smem:$0x3FB7] =	sst s0  }
0x18: {  	s0 =	sld [smem:$0x3F9A];
	_ =	swait.ge [sflag:s4], $0x0  }
0x19: {  	s7 =	sld [smem:$0x3F9B]  }
0x1a: {  	s8 =	sadd.s32 $0xFFFFE003, lr  }
0x1b: {  	s9 =	sadd.s32 $0xFFFFFEF7, lr;
	s5 =	simm.s32 $0xFFFFFFFF;
	p2 =	slt.u32 s8, $0xFFFFF086  }
0x1c: {  	p1 =	slt.u32 s9, $0xF7A;
	s5 =	simm.s32 @!p2 $0x0  }
0x1d: {  	s5 =	simm.s32 @p1 $0x1;
	p0 =	seq.s32 s7, s2  }
0x1e: {  	s7 =	smul.u32 @!p0 $0xF7A, s2;
	p2 =	seq.s32 @!p0 s5, $0x0  }
0x1f: {  	s9 =	smul.u32 $0xF7A, s1;
	s8 =	simm.s32 @!p0 $0x1BF5;
	p2 =	por !p2, p0  }
0x20: {  	[sflag:s8] =	ssyncset.s32 @!p0 $0xFFFFF086;
	s6 =	sadd.s32 @!p0 s3, s7;
	s7 =	simm.s32 @!p0 $0x108  }
0x21: {  	s3 =	sadd.s32 s3, s9;
	s6 =	sadd.s32 @!p0 $0x88, s6;
	s7 =	simm.s32 @p2 $0x1082  }
0x22: {  	[simem:s7], [sflag:s8] =	dma.local @!p0 [hbm:s6], $0xF7A  }
0x23: {  	s9 =	sor.u32 $0xD0000000, s2;
	s6 =	simm.s32 $0x108;
	_ =	swait.ge @!p0 [sflag:s8], $0x0  }
0x24: {  	s3 =	sadd.s32 $0x88, s3;
	s6 =	simm.s32 @!p1 $0x1082;
	[sflag:s4] =	ssyncset.s32 $0xFFFFF086  }
0x25: {  	[simem:s6], [sflag:s4] =	dma.local [hbm:s3], $0xF7A  }
0x26: {  	[smem:$0x3F9B] =	sst s1;
	(tag) =	ssettag s2;
	_ =	strace s9  }
0x27: {  	s1 =	sld [smem:$0x3FAB]  }
0x28: {  	s2 =	sld [smem:$0x3FAC]  }
0x29: {  	s4 =	sld [smem:$0x3FAE]  }
0x2a: {  	p0 =	seq.s32 s5, $0x0;
	s5 =	sld [smem:$0x3FAF]  }
0x2b: {  	s6 =	sld [smem:$0x3FB0]  }
0x2c: {  	s7 =	sld [smem:$0x3FB1]  }
0x2d: {  	s3 =	simm.s32 $0x108;
	s8 =	sld [smem:$0x3FB2]  }
0x2e: {  	s3 =	simm.s32 @!p0 $0x1082;
	s9 =	sld [smem:$0x3FB3]  }
0x2f: {  	lr =	sadd.s32 s0, s3;
	s0 =	sld [smem:$0x3FAA]  }
0x30: {  	s3 =	sld [smem:$0x3FAD]  }
0x31: {  	[smem:$0x3FB6] =	sst s10  }
0x32: {  	s10 =	sld [smem:$0x3FB4];
	_ =	sdelay $0x3  }
0x33: {  	p0 =	seq.s32 s10, $0x1;
	s10 =	sld [smem:$0x3FB6];
	_ =	sdelay $0x3  }
0x34: {  	[smem:$0x3FB6] =	sst s10  }
0x35: {  	s10 =	sld [smem:$0x3FB5];
	_ =	sdelay $0x3  }
0x36: {  	p1 =	seq.s32 s10, $0x1;
	s10 =	sld [smem:$0x3FB6];
	_ =	sdelay $0x3  }
0x37: {  	[smem:$0x3FB6] =	sst s10  }
0x38: {  	s10 =	sld [smem:$0x3FB7]  }
0x39: {  	_ = 	snop;
	(pc) =	sbr.ind lr, $3  }
0x3a: {  	_ = 	snop  }
0x3b: {  	_ = 	snop  }
0x3c: {  	p2 =	seq.s32 s10, $0x1;
	s10 =	sld [smem:$0x3FB6]  }
0x3d: {  	_ =	shalt  }
0x3e: {  	_ =	shalt  }
0x3f: {  	_ =	shalt  }
0x40: {  	_ =	shalt  }
0x41: {  	_ =	shalt  }
0x42: {  	_ =	shalt  }
0x43: {  	_ =	shalt  }
0x44: {  	_ =	shalt  }
0x45: {  	_ =	shalt  }
0x46: {  	_ =	shalt  }
0x47: {  	_ =	shalt  }
0x48: {  	_ =	shalt  }
0x49: {  	_ =	shalt  }
0x4a: {  	_ =	shalt  }
0x4b: {  	_ =	shalt  }
0x4c: {  	_ =	shalt  }
0x4d: {  	_ =	shalt  }
0x4e: {  	_ =	shalt  }
0x4f: {  	_ =	shalt  }
0x50: {  	_ =	shalt  }
0x51: {  	_ =	shalt  }
0x52: {  	_ =	shalt  }
0x53: {  	_ =	shalt  }
0x54: {  	_ =	shalt  }
0x55: {  	_ =	shalt  }
0x56: {  	_ =	shalt  }
0x57: {  	_ =	shalt  }
0x58: {  	_ =	shalt  }
0x59: {  	_ =	shalt  }
0x5a: {  	_ =	shalt  }
0x5b: {  	_ =	shalt  }
0x5c: {  	_ =	shalt  }
0x5d: {  	_ =	shalt  }
0x5e: {  	_ =	shalt  }
0x5f: {  	_ =	shalt  }
0x60: {  	_ =	shalt  }
0x61: {  	_ =	shalt  }
0x62: {  	_ =	shalt  }
0x63: {  	_ =	shalt  }
0x64: {  	_ =	shalt  }
0x65: {  	_ =	shalt  }
0x66: {  	_ =	shalt  }
0x67: {  	_ =	shalt  }
0x68: {  	_ =	shalt  }
0x69: {  	_ =	shalt  }
0x6a: {  	_ =	shalt  }
0x6b: {  	_ =	shalt  }
0x6c: {  	_ =	shalt  }
0x6d: {  	_ =	shalt  }
0x6e: {  	_ =	shalt  }
0x6f: {  	_ =	shalt  }
0x70: {  	_ =	shalt  }
0x71: {  	_ =	shalt  }
0x72: {  	_ =	shalt  }
0x73: {  	_ =	shalt  }
0x74: {  	_ =	shalt  }
0x75: {  	_ =	shalt  }
0x76: {  	_ =	shalt  }
0x77: {  	_ =	shalt  }
0x78: {  	_ =	shalt  }
0x79: {  	_ =	shalt  }
0x7a: {  	_ =	shalt  }
0x7b: {  	_ =	shalt  }
0x7c: {  	_ =	shalt  }
0x7d: {  	_ =	shalt  }
0x7e: {  	_ =	shalt  }
0x7f: {  	_ =	shalt  }
0x80: {  	_ =	shalt  }
0x81: {  	_ =	shalt  }
0x82: {  	_ =	shalt  }
0x83: {  	_ =	shalt  }
0x84: {  	_ =	shalt  }
0x85: {  	_ =	shalt  }
0x86: {  	_ =	shalt  }
0x87: {  	_ =	shalt  }
.Lfunc_end0:
.L_simem_size_0:
called_computation_lowered:
.L_overlay_start_0:
0x88: {  	s2 =	sld [smem:$0x3FD9]  }
0x89: {  	s3 =	sld [smem:$0x3FFE];
	_ =	sdelay $0x1  }
0x8a: {  	s1 =	srdreg.scid  }
0x8b: {  	s0 =	sand.u32 $0x1, s1  }
0x8c: {  	s17 =	sshll.u32 s0, $0xA;
	s2 =	sadd.s32 s3, s2  }
0x8d: {  	s2 =	sadd.s32 s2, s17  }
0x8e: {  	[smem:$0x3FC2] =	sst s2  }
0x8f: {  	_ = 	snop  }
0x90: {  	s2 =	sld [smem:$0x3FD0];
	(tm) =	ssettm $0x1  }
0x91: {  	s18 =	sld [smem:$0x3FFB];
	_ =	sdelay $0x3  }
0x92: {  	_ =	strace s18  }
0x93: {  	s3 =	sld [smem:$0x3FFC];
	_ =	sdelay $0x3  }
0x94: {  	_ =	strace s3  }
0x95: {  	s3 =	sld [smem:$0x3FFD];
	_ =	sdelay $0x3  }
0x96: {  	_ =	strace s3  }
0x97: {  	_ =	strace $0x8FFFFFFF  }
0x98: {  	s19 =	sld [smem:$0x3FDB];
	_ =	sdelay $0x1  }
0x99: {  	s4 =	simm.s32 $_scs_section_size  }
0x9a: {  	s5 =	simm.s32 $_size__tile_overlayer_lowered;
	s6 =	simm.s32 $_tile_overlayer_lowered  }
0x9b: {  	s22 =	simm.s32 $0x1BFF;
	s21 =	sshll.u32 s6, $0x1;
	s3 =	sadd.s32 s4, s19  }
0x9c: {  	s7 =	simm.s32 $0x0;
	s20 =	sshll.u32 s5, $0x1;
	s5 =	sadd.s32 s21, s3  }
0x9d: {  	[timem:s7], [sflag:s22] =	dma.local [hbm:s5], s20  }
0x9e: {  	_ =	swait.ge [sflag:s22], s20  }
0x9f: {  	s4 =	ssub.s32 $0x0, s20;
	[sflag:s22] =	ssyncset.done $0x0  }
0xa0: {  	[sflag:s22] =	ssyncadd.s32 s4;
	_ =	sdelay $0x1  }
0xa1: {  	s23 =	simm.s32 $0x1B8B  }
0xa2: {  	_ =	swait.ge [sflag:s23], $0x1  }
0xa3: {  	[sflag:s23] =	ssyncset.done $0x0  }
0xa4: {  	s25 =	simm.s32 $0x1B8E;
	s24 =	sld [smem:$0x3FFE];
	[sflag:s23] =	ssyncadd.s32 $0xFFFFFFFF  }
0xa5: {  	s26 =	simm.s32 $execute0_lowered;
	[smem:$0x3FD2] =	sst s25  }
0xa6: {  	s5 =	sshll.u32 s26, $0x1;
	_ =	strace $0x80000046;
	[dreg:$0x1] =	wrdreg $0xFFFFFFFF  }
0xa7: {  	s28 =	simm.s32 $_size_execute0_lowered;
	s3 =	sadd.s32 s3, s5;
	[dreg:$0x0] =	wrdreg $0x0  }
0xa8: {  	s5 =	sshll.u32 s28, $0x1;
	[dreg:$0x2] =	wrdreg s3  }
0xa9: {  	[dreg:$0x3] =	wrdreg s5  }
0xaa: {  	[dreg:$0x4] =	wrdreg $0xC0  }
0xab: {  	_ =	task [dreg:s7], $0x5FFFF  }
0xac: {  	[dreg:$0x1] =	wrdreg $0xFFFFFFFF  }
0xad: {  	[dreg:$0x0] =	wrdreg $0x60  }
0xae: {  	[dreg:$0x2] =	wrdreg s24  }
0xaf: {  	[dreg:$0x3] =	wrdreg s2  }
0xb0: {  	[dreg:$0x4] =	wrdreg $0x102000  }
0xb1: {  	[dreg:$0x5] =	wrdreg $0x9  }
0xb2: {  	_ =	task.clear_ibuf [dreg:s7], $0x6FFFF;
	_ =	strace $0x90000046  }
0xb3: {  	s29 =	simm.s32 $0x9;
	_ =	strace $0x80000048  }
0xb4: {  	_ =	swait.ge [sflag:s29], $0x1  }
0xb5: {  	[sflag:s29] =	ssyncadd.s32 $0xFFFFFFFF  }
0xb6: {  	_ =	strace $0x90000048  }
0xb7: {  	_ =	sfence  }
0xb8: {  	s30 =	sld [smem:$0x0];
	_ =	sdelay $0x2  }
0xb9: {  	s31 =	sshll.u32 s1, $0xD;
	s1 =	sshrl.u32 s1, $0x2  }
0xba: {  	s3 =	sand.u32 $0x4000, s31;
	s1 =	sadd.s32 s1, s30  }
0xbb: {  	s0 =	sor.u32 s3, s0;
	s1 =	sshll.u32 s1, $0x11  }
0xbc: {  	s0 =	sor.u32 s1, s0  }
0xbd: {  	s0 =	sadd.s32 $0x8F2B, s0  }
0xbe: {  	[sflag:s0] =	ssyncadd.remote.s32 $0x1  }
0xbf: {  	_ =	sfence.sel $0xFFFF  }
0xc0: {  	[dreg:$0x0] =	wrdreg $0xFFFFFFFF;
	(pc) =	sbr.abs _section_cstart, $3  }
0xc1: {  	[dreg:$0x1] =	wrdreg $0xFFFFFFFF  }
0xc2: {  	_ =	task.clear_ibuf [dreg:s7], $0x2FFFF;
	_ =	strace $0x9FFFFFFF  }
0xc3: {  	(tm) =	ssettm $0x7FFFFFFF  }
tec
execute0_lowered:
.L_overlay_start_1:
0x0: {  	(tag) =	ssettag $0x1  }
0x1: {  	s8 =	rddreg [dreg:$0x0]  }
0x2: {  	s17 =	rddreg [dreg:$0x1]  }
0x3: {  	s1 =	rddreg [dreg:$0x2]  }
0x4: {  	s0 =	rddreg [dreg:$0x3]  }
0x5: {  	s3 =	simm.s32 $0x0;
	s4 =	srdreg.scid;
	s2 =	stileid.u32  }
0x6: {  	s7 =	simm.s32 $0x3;
	[smem:$0x7FF] =	sst s3;
	s22 =	sand.u32 $0x1, s4  }
0x7: {  	s26 =	sshll.u32 s2, $0xA;
	s6 =	sshll.u32 s2, $0x8;
	s29 =	sshll.u32 s2, $0xB  }
0x8: {  	s31 =	sshll.u32 s2, $0x6;
	_ =	strace $0x80000047;
	s5 =	sshll.u32 s22, $0x9  }
0x9: {  	s28 =	sadd.s32 s6, s8;
	s30 =	sadd.s32 s29, s1;
	s18 =	sor.u32 s5, s26  }
0xa: {  	s4 =	sadd.s32 $0x1600, s28;
	s5 =	sor.u32 $0x1C03, s31;
	s6 =	sshrl.u32 s30, $0x3  }
0xb: {  	[spmem:s6], [sflag:s5] =	dma.local [hbm:s4], $0x100  }
0xc: {  	s9 =	sshrl.u32 s18, $0x3;
	_ =	swait.ge [sflag:s7], $0x100  }
0xd: {  	s8 =	sadd.s32 s9, s8;
	[sflag:s7] =	ssyncset.done $0x0  }
0xe: {  	s8 =	sadd.s32 $0x2600, s8;
	[sflag:s7] =	ssyncadd.s32 $0xFFFFFF00  }
0xf: {  	[tilespmem:s3], [sflag:$0x3] =	stream.linear.gather [hbm4b:s8+s3], $0x200, $0x38;
	[tilespmem:$0x10A00] =	vst v63  }
0x10: {  	_ =	swait.ge [sflag:s7], $0x200  }
0x11: {  	[sflag:s7] =	ssyncset.done $0x0  }
0x12: {  	[sflag:s7] =	ssyncadd.s32 $0xFFFFFE00  }
0x13: {  	s10 =	simm.s32 $0x200;
	s9 =	simm.s32 $0x80;
	[bflag:$0x0] =	sbarrier.arrive $0xFFFF  }
0x14: {  	[tilespmem:s10], [sflag:$0x1] =	stream.indirect.gather [spmem:s1], $0x80, s3, s9, $0xb8;
	[tilespmem:$0x10A00] =	vst v63  }
0x15: {  	s11 =	simm.s32 $0x4200  }
0x16: {  	[tilespmem:s11], [sflag:$0x1] =	stream.indirect.gather [spmem:s1], $0x80, s9, s9, $0xb8;
	[tilespmem:$0x10A00] =	vst v63  }
0x17: {  	s12 =	simm.s32 $0x100;
	s13 =	simm.s32 $0x8200  }
0x18: {  	[tilespmem:s13], [sflag:$0x1] =	stream.indirect.gather [spmem:s1], $0x80, s12, s9, $0xb8;
	[tilespmem:$0x10A00] =	vst v63  }
0x19: {  	s14 =	simm.s32 $0x180;
	s15 =	simm.s32 $0xC200;
	s16 =	simm.s32 $0x1  }
0x1a: {  	[tilespmem:s15], [sflag:$0x1] =	stream.indirect.gather [spmem:s1], $0x80, s14, s9, $0xb8;
	[tilespmem:$0x10A00] =	vst v63  }
0x1b: {  	_ =	swait.ge [sflag:s16], $0x4000  }
0x1c: {  	s18 =	sshll.u32 s18, $0x4;
	[sflag:s16] =	ssyncset.done $0x0  }
0x1d: {  	s17 =	sadd.s32 s17, s18;
	[sflag:s16] =	ssyncadd.s32 $0xFFFFC000  }
0x1e: {  	[hbm4b:s17+s3] =	stream.linear.scatter [tilespmem:s10], [sflag:$0x2], $0x4000, $0x38;
	[tilespmem:$0x10A00] =	vst v63  }
0x1f: {  	_ =	swait.ge [sflag:s16], $0x4000  }
0x20: {  	[sflag:s16] =	ssyncset.done $0x0  }
0x21: {  	s18 =	sadd.s32 $0x800, s17;
	[sflag:s16] =	ssyncadd.s32 $0xFFFFC000  }
0x22: {  	[hbm4b:s18+s3] =	stream.linear.scatter [tilespmem:s11], [sflag:$0x2], $0x4000, $0x38;
	[tilespmem:$0x10A00] =	vst v63  }
0x23: {  	_ =	swait.ge [sflag:s16], $0x4000  }
0x24: {  	[sflag:s16] =	ssyncset.done $0x0  }
0x25: {  	s19 =	sadd.s32 $0x1000, s17;
	[sflag:s16] =	ssyncadd.s32 $0xFFFFC000  }
0x26: {  	[hbm4b:s19+s3] =	stream.linear.scatter [tilespmem:s13], [sflag:$0x2], $0x4000, $0x38;
	[tilespmem:$0x10A00] =	vst v63  }
0x27: {  	_ =	swait.ge [sflag:s16], $0x4000  }
0x28: {  	[sflag:s16] =	ssyncset.done $0x0  }
0x29: {  	s20 =	simm.s32 $0x2;
	s21 =	sadd.s32 $0x1800, s17;
	[sflag:s16] =	ssyncadd.s32 $0xFFFFC000  }
0x2a: {  	[hbm4b:s21+s3] =	stream.linear.scatter [tilespmem:s15], [sflag:$0x2], $0x4000, $0x38;
	[tilespmem:$0x10A00] =	vst v63  }
0x2b: {  	_ =	swait.ge [sflag:s20], $0x4000  }
0x2c: {  	s22 =	ssub.s32 $0x2, s22;
	[sflag:s20] =	ssyncset.done $0x0  }
0x2d: {  	s23 =	sshrl.u32 s22, $0x1;
	[sflag:s20] =	ssyncadd.s32 $0xFFFFC000  }
0x2e: {  	s22 =	ssub.s32 s22, s23;
	_ =	swait.ge [sflag:s20], $0x4000  }
0x2f: {  	s22 =	smax.u32 s22, $0x1;
	[sflag:s20] =	ssyncset.done $0x0  }
0x30: {  	p0 =	sne.s32 s22, $0x1;
	[sflag:s20] =	ssyncadd.s32 $0xFFFFC000  }
.Ltmp0:
0x31: {  	_ =	swait.ge [sflag:s20], $0x4000;
	(pc) =	sbr.rel @!p0 .LBB2_2-.Ltmp0, $4  }
0x32: {  	[sflag:s20] =	ssyncset.done $0x0  }
0x33: {  	[sflag:s20] =	ssyncadd.s32 $0xFFFFC000  }
0x34: {  	_ =	swait.ge [sflag:s20], $0x4000  }
0x35: {  	s22 =	sadd.s32 $0xFFFFFFFF, s22;
	[sflag:s20] =	ssyncset.done $0x0  }
.LBB2_1:
0x36: {  	p0 =	sne.s32 s22, $0x1;
	s22 =	sadd.s32 $0xFFFFFFFF, s22;
	[sflag:s20] =	ssyncadd.s32 $0xFFFFC000  }
0x37: {  	[spmem:s6], [sflag:s5] =	dma.local [hbm:s4], $0x100  }
0x38: {  	_ =	swait.ge [sflag:s7], $0x100  }
0x39: {  	[sflag:s7] =	ssyncset.done $0x0  }
0x3a: {  	[sflag:s7] =	ssyncadd.s32 $0xFFFFFF00  }
0x3b: {  	[tilespmem:s3], [sflag:$0x3] =	stream.linear.gather [hbm4b:s8+s3], $0x200, $0x38;
	[tilespmem:$0x10A00] =	vst v63  }
0x3c: {  	_ =	swait.ge [sflag:s7], $0x200  }
0x3d: {  	[sflag:s7] =	ssyncset.done $0x0  }
0x3e: {  	[sflag:s7] =	ssyncadd.s32 $0xFFFFFE00  }
0x3f: {  	[bflag:$0x0] =	sbarrier.arrive $0xFFFF  }
0x40: {  	[tilespmem:s10], [sflag:$0x1] =	stream.indirect.gather [spmem:s1], $0x80, s3, s9, $0xb8;
	[tilespmem:$0x10A00] =	vst v63  }
0x41: {  	_ = 	snop  }
0x42: {  	[tilespmem:s11], [sflag:$0x1] =	stream.indirect.gather [spmem:s1], $0x80, s9, s9, $0xb8;
	[tilespmem:$0x10A00] =	vst v63  }
0x43: {  	_ = 	snop  }
0x44: {  	[tilespmem:s13], [sflag:$0x1] =	stream.indirect.gather [spmem:s1], $0x80, s12, s9, $0xb8;
	[tilespmem:$0x10A00] =	vst v63  }
0x45: {  	_ = 	snop  }
0x46: {  	[tilespmem:s15], [sflag:$0x1] =	stream.indirect.gather [spmem:s1], $0x80, s14, s9, $0xb8;
	[tilespmem:$0x10A00] =	vst v63  }
0x47: {  	_ =	swait.ge [sflag:s16], $0x4000  }
0x48: {  	[sflag:s16] =	ssyncset.done $0x0  }
0x49: {  	[sflag:s16] =	ssyncadd.s32 $0xFFFFC000  }
0x4a: {  	[hbm4b:s17+s3] =	stream.linear.scatter [tilespmem:s10], [sflag:$0x2], $0x4000, $0x38;
	[tilespmem:$0x10A00] =	vst v63  }
0x4b: {  	_ =	swait.ge [sflag:s16], $0x4000  }
0x4c: {  	[sflag:s16] =	ssyncset.done $0x0  }
0x4d: {  	[sflag:s16] =	ssyncadd.s32 $0xFFFFC000  }
0x4e: {  	[hbm4b:s18+s3] =	stream.linear.scatter [tilespmem:s11], [sflag:$0x2], $0x4000, $0x38;
	[tilespmem:$0x10A00] =	vst v63  }
0x4f: {  	_ =	swait.ge [sflag:s16], $0x4000  }
0x50: {  	[sflag:s16] =	ssyncset.done $0x0  }
0x51: {  	[sflag:s16] =	ssyncadd.s32 $0xFFFFC000  }
0x52: {  	[hbm4b:s19+s3] =	stream.linear.scatter [tilespmem:s13], [sflag:$0x2], $0x4000, $0x38;
	[tilespmem:$0x10A00] =	vst v63  }
0x53: {  	_ =	swait.ge [sflag:s16], $0x4000  }
0x54: {  	[sflag:s16] =	ssyncset.done $0x0  }
0x55: {  	[sflag:s16] =	ssyncadd.s32 $0xFFFFC000  }
0x56: {  	[hbm4b:s21+s3] =	stream.linear.scatter [tilespmem:s15], [sflag:$0x2], $0x4000, $0x38;
	[tilespmem:$0x10A00] =	vst v63  }
0x57: {  	_ =	swait.ge [sflag:s20], $0x4000  }
0x58: {  	[sflag:s20] =	ssyncset.done $0x0  }
0x59: {  	[sflag:s20] =	ssyncadd.s32 $0xFFFFC000  }
0x5a: {  	_ =	swait.ge [sflag:s20], $0x4000  }
0x5b: {  	[sflag:s20] =	ssyncset.done $0x0  }
0x5c: {  	[sflag:s20] =	ssyncadd.s32 $0xFFFFC000  }
.Ltmp1:
0x5d: {  	_ =	swait.ge [sflag:s20], $0x4000;
	(pc) =	sbr.rel @p0 .LBB2_1-.Ltmp1, $4  }
0x5e: {  	[sflag:s20] =	ssyncset.done $0x0  }
0x5f: {  	[sflag:s20] =	ssyncadd.s32 $0xFFFFC000  }
0x60: {  	_ =	swait.ge [sflag:s20], $0x4000  }
0x61: {  	[sflag:s20] =	ssyncset.done $0x0  }
.LBB2_2:
0x62: {  	[sflag:s20] =	ssyncadd.s32 $0xFFFFC000  }
0x63: {  	_ =	sfence.sel $0x180000  }
0x64: {  	[bflag:$0x0] =	sbarrier.arrive $0xFFFF  }
0x65: {  	p0 =	sne.s32 s2, $0x0;
	_ =	strace $0x90000047  }
0x66: {  	s0 =	sadd.s32 @!p0 $0x100000, s0;
	[bflag:$0x2] =	sbarrier.arrive $0xFFFF  }
0x67: {  	[sflag:s0] =	ssyncadd.tile.s32 @!p0 $0x1;
	_ =	shalt  }
.Lfunc_end2:
_tile_overlayer_lowered:
.L_overlay_start_2:
0x68: {  	(tag) =	ssettag $0x2  }
0x69: {  	s0 =	rddreg [dreg:$0x0];
	s2 =	stileid.u32  }
0x6a: {  	s1 =	rddreg [dreg:$0x1];
	p0 =	sne.s32 s2, $0x0  }
0x6b: {  	s3 =	rddreg [dreg:$0x2];
	[bflag:$0x3] =	sbarrier.arrive $0xFFFF;
	s2 =	simm.s32 @!p0 $0x1C03  }
0x6c: {  	[timem:s3], [sflag:s2] =	dma.local @!p0 [hbm:s0], s1  }
0x6d: {  	s0 =	simm.s32 @!p0 $0x3  }
0x6e: {  	_ =	swait.ge @!p0 [sflag:s0], s1  }
0x6f: {  	s1 =	ssub.s32 @!p0 $0x0, s1;
	[sflag:s0] =	ssyncset.done @!p0 $0x0  }
0x70: {  	[sflag:s0] =	ssyncadd.s32 @!p0 s1  }
0x71: {  	[bflag:$0x3] =	sbarrier.arrive $0xFFFF  }
0x72: {  	_ =	shalt  }

</sc_bundles>
